<compile_context>
chip_gen: v7x
topology: tpu7x:2x2x1
jax: 0.10.2.dev20260603
libtpu: 0.0.44.dev20260713+nightly
codegen_flags: <defaults>
</compile_context>

<pallas_src>
import functools

import jax
import jax.numpy as jnp
from jax import lax
from jax.experimental import pallas as pl
from jax.experimental.pallas import tpu as pltpu
from jax.experimental.pallas import tpu_sc as plsc


@functools.lru_cache(maxsize=None)
def _sc_gather_fn(B: int):
    info = plsc.get_sparse_core_info()
    nc, ns = 1, info.num_subcores
    nw = nc * ns
    per_w = B // nw
    lanes = info.num_lanes
    assert B % nw == 0 and per_w % lanes == 0

    mesh = plsc.VectorSubcoreMesh(
        core_axis_name="c", subcore_axis_name="s", num_cores=nc)

    @functools.partial(
        pl.kernel,
        out_type=jax.ShapeDtypeStruct((1, B), jnp.float32),
        mesh=mesh,
        compiler_params=pltpu.CompilerParams(
            needs_layout_passes=False, skip_device_barrier=True),
        scratch_types=[
            pltpu.VMEM((4,), jnp.float32),
            pltpu.VMEM((per_w,), jnp.int32),
            pltpu.VMEM((per_w,), jnp.float32),
            pltpu.SemaphoreType.DMA,
            pltpu.SemaphoreType.DMA,
        ],
    )
    def sc_gather(table_hbm, xs_hbm, g_hbm, tab_v, idx_v, g_v, sem_t, sem_x):
        wid = lax.axis_index("s") * nc + lax.axis_index("c")
        base = wid * per_w
        cp_t = pltpu.async_copy(table_hbm, tab_v, sem_t)
        cp_x = pltpu.async_copy(xs_hbm.at[0, pl.ds(base, per_w)], idx_v, sem_x)
        cp_t.wait()
        cp_x.wait()

        def body(i, carry):
            sl = pl.ds(i * lanes, lanes)
            g_v[sl] = plsc.load_gather(tab_v, [idx_v[sl]])
            return carry

        lax.fori_loop(0, per_w // lanes, body, 0)
        pltpu.sync_copy(g_v, g_hbm.at[0, pl.ds(base, per_w)])

    return sc_gather


def _row_term(h_ref, w_ref, b_ref, i, TI):
    a_row = h_ref[0, pl.ds(i * TI, TI)] * w_ref[0, 0] + b_ref[0]
    return jnp.reshape(a_row, (TI, 1))


def _tc_head_body(x_ref, h_ref, t_ref, w_ref, b_ref, o_ref, *, TI):
    i = pl.program_id(0)
    x = x_ref[...]
    g = jnp.where(x == 1, t_ref[1, 0], t_ref[0, 0])
    g = jnp.where(x == 2, t_ref[2, 0], g)
    g = jnp.where(x == 3, t_ref[3, 0], g)
    o_ref[0] = _row_term(h_ref, w_ref, b_ref, i, TI) + g


@functools.lru_cache(maxsize=None)
def _tc_head_fn(B: int, TI: int, R: int):
    return pl.pallas_call(
        functools.partial(_tc_head_body, TI=TI),
        grid=(R // TI,),
        in_specs=[
            pl.BlockSpec((1, B), lambda i: (0, 0)),
            pl.BlockSpec((1, B), lambda i: (0, 0)),
            pl.BlockSpec(memory_space=pltpu.SMEM),
            pl.BlockSpec(memory_space=pltpu.SMEM),
            pl.BlockSpec(memory_space=pltpu.SMEM),
        ],
        out_specs=pl.BlockSpec((1, TI, B), lambda i: (0, i, 0)),
        out_shape=jax.ShapeDtypeStruct((1, B, B), jnp.float32),
    )


def _tc_tail_body(prev_ref, g_ref, h_ref, w_ref, b_ref, o_ref, *, TI, off):
    del prev_ref
    i = pl.program_id(0) + off
    o_ref[0] = _row_term(h_ref, w_ref, b_ref, i, TI) + g_ref[...]


@functools.lru_cache(maxsize=None)
def _tc_tail_fn(B: int, TI: int, R: int):
    off = R // TI
    return pl.pallas_call(
        functools.partial(_tc_tail_body, TI=TI, off=off),
        grid=((B - R) // TI,),
        in_specs=[
            pl.BlockSpec(memory_space=pl.ANY),
            pl.BlockSpec((1, B), lambda i: (0, 0)),
            pl.BlockSpec((1, B), lambda i: (0, 0)),
            pl.BlockSpec(memory_space=pltpu.SMEM),
            pl.BlockSpec(memory_space=pltpu.SMEM),
        ],
        out_specs=pl.BlockSpec((1, TI, B), lambda i: (0, i + off, 0)),
        out_shape=jax.ShapeDtypeStruct((1, B, B), jnp.float32),
        input_output_aliases={0: 0},
    )


def kernel(xs, hs, emb_weight, lin_w, lin_b):
    B = xs.shape[1]
    TI, R = 512, 512
    hs_row = hs.reshape(1, B)
    g = _sc_gather_fn(B)(emb_weight.reshape(-1), xs)
    head = _tc_head_fn(B, TI, R)(xs, hs_row, emb_weight, lin_w, lin_b)
    return _tc_tail_fn(B, TI, R)(head, g, hs_row, lin_w, lin_b)

# --- scband reference (transcript-rebuilt; emitter-appended) ---
"""Pipeline reference for scband-dummy-model-10075993276800 (READ-ONLY COPY).

The authoritative reference and input builder live on the scoring server;
editing this copy changes nothing except your own understanding.
"""

import jax, jax.numpy as jnp
import numpy as np

B = 4096

def setup_inputs(seed: int = 0) -> dict:
    key = jax.random.key(seed)
    k1, k2 = jax.random.split(key)
    xs = jax.random.randint(k1, (1, B), 0, 4)
    hs = jax.random.normal(k2, (1, B, 1), dtype=jnp.float32)
    # Parameters are fully determined by __init__ (explicit overwrites):
    emb_weight = jnp.array([[0.0], [1.0], [2.0], [3.0]], dtype=jnp.float32)  # Embedding(4, 1)
    lin_w = jnp.array([[2.0]], dtype=jnp.float32)  # Linear(1,1).weight
    lin_b = jnp.array([-1.0], dtype=jnp.float32)   # Linear(1,1).bias
    return {"xs": xs, "hs": hs, "emb_weight": emb_weight, "lin_w": lin_w, "lin_b": lin_b}

def reference(xs, hs, emb_weight, lin_w, lin_b):
    # embedding lookup: [1, B, 1] -> take dim0 of last axis -> [1, B]
    gathered = jnp.take(emb_weight, xs, axis=0)[:, :, 0]
    # linear: hs [1, B, 1] @ W^T + b -> [1, B, 1]
    lin = jnp.matmul(hs, lin_w.T) + lin_b
    # broadcast add: [1, B] + [1, B, 1] -> [1, B, B] (faithful to torch broadcasting)
    last_h = gathered + lin
    # original also returns out_h='rubbish, never to be accessed' (a string); we return only the tensor output
    return last_h

if __name__ == "__main__":
    import jax
    _d = setup_inputs()
    print(jax.jit(kernel)(*tuple(_d.values())))

</pallas_src>

<mosaic_0001>
#map = affine_map<(d0, d1) -> (0)>
#map1 = affine_map<(d0, d1) -> (0, 0)>
module attributes {stable_mosaic.version = 14 : i64} {
  func.func @sc_gather(%arg0: i32, %arg1: i32, %arg2: memref<4xf32, #tpu.memory_space<hbm>>, %arg3: memref<1x4096xi32, #tpu.memory_space<hbm>>, %arg4: memref<1x4096xf32, #tpu.memory_space<hbm>>, %arg5: memref<4xf32, #tpu.memory_space<vmem>>, %arg6: memref<256xi32, #tpu.memory_space<vmem>>, %arg7: memref<256xf32, #tpu.memory_space<vmem>>, %arg8: memref<!tpu.dma_semaphore, #tpu.memory_space<semaphore_mem>>, %arg9: memref<!tpu.dma_semaphore, #tpu.memory_space<semaphore_mem>>) attributes {dimension_semantics = [#tpu.dimension_semantics<core_parallel>, #tpu.dimension_semantics<subcore_parallel>], iteration_bounds = array<i64: 1, 16>, scalar_prefetch = 0 : i64, scratch_operands = 5 : i64, tpu.core_type = #tpu.core_type<sc_vector_subcore>, window_params = [{transform_indices = #map}, {transform_indices = #map1}, {transform_indices = #map1}]} {
    %mul3A = arith.constant 1 : i32
    %mul3A_0 = arith.muli %arg1, %mul3A : i32
    %add3A = arith.addi %mul3A_0, %arg0 : i32
    %mul3A_1 = arith.constant 256 : i32
    %mul3A_2 = arith.muli %add3A, %mul3A_1 : i32
    tpu.enqueue_dma source(%arg2 : memref<4xf32, #tpu.memory_space<hbm>>) target(%arg5 : memref<4xf32, #tpu.memory_space<vmem>>) target_semaphore(%arg8 : memref<!tpu.dma_semaphore, #tpu.memory_space<semaphore_mem>>)
    %dma_start3A = arith.constant 0 : i32
    %dma_start3A_3 = tpu.memref_slice %arg3[%dma_start3A, %mul3A_2] : memref<1x4096xi32, #tpu.memory_space<hbm>> -> memref<1x256xi32, #tpu.memory_space<hbm>>
    %dma_start3A_4 = tpu.memref_squeeze %dma_start3A_3 : memref<1x256xi32, #tpu.memory_space<hbm>> -> memref<256xi32, #tpu.memory_space<hbm>>
    %dma_start3A_5 = tpu.memref_slice %arg3[%dma_start3A, %mul3A_2] : memref<1x4096xi32, #tpu.memory_space<hbm>> -> memref<1x256xi32, #tpu.memory_space<hbm>>
    %dma_start3A_6 = tpu.memref_squeeze %dma_start3A_5 : memref<1x256xi32, #tpu.memory_space<hbm>> -> memref<256xi32, #tpu.memory_space<hbm>>
    tpu.enqueue_dma source(%dma_start3A_6 : memref<256xi32, #tpu.memory_space<hbm>>) target(%arg6 : memref<256xi32, #tpu.memory_space<vmem>>) target_semaphore(%arg9 : memref<!tpu.dma_semaphore, #tpu.memory_space<semaphore_mem>>)
    tpu.wait_dma2 semaphore(%arg8 : memref<!tpu.dma_semaphore, #tpu.memory_space<semaphore_mem>>) src(%arg2 : memref<4xf32, #tpu.memory_space<hbm>>) dst(%arg5 : memref<4xf32, #tpu.memory_space<vmem>>)
    %dma_wait3A = arith.constant 0 : i32
    %dma_wait3A_7 = tpu.memref_slice %arg3[%dma_wait3A, %mul3A_2] : memref<1x4096xi32, #tpu.memory_space<hbm>> -> memref<1x256xi32, #tpu.memory_space<hbm>>
    %dma_wait3A_8 = tpu.memref_squeeze %dma_wait3A_7 : memref<1x256xi32, #tpu.memory_space<hbm>> -> memref<256xi32, #tpu.memory_space<hbm>>
    %dma_wait3A_9 = tpu.memref_slice %arg3[%dma_wait3A, %mul3A_2] : memref<1x4096xi32, #tpu.memory_space<hbm>> -> memref<1x256xi32, #tpu.memory_space<hbm>>
    %dma_wait3A_10 = tpu.memref_squeeze %dma_wait3A_9 : memref<1x256xi32, #tpu.memory_space<hbm>> -> memref<256xi32, #tpu.memory_space<hbm>>
    tpu.wait_dma2 semaphore(%arg9 : memref<!tpu.dma_semaphore, #tpu.memory_space<semaphore_mem>>) src(%dma_wait3A_10 : memref<256xi32, #tpu.memory_space<hbm>>) dst(%arg6 : memref<256xi32, #tpu.memory_space<vmem>>)
    %scan3A = arith.constant 0 : i32
    %scan3A_11 = arith.constant 0 : i32
    %scan3A_12 = arith.constant 16 : i32
    %scan3A_13 = arith.addi %scan3A_11, %scan3A_12 : i32
    %scan3A_14 = arith.constant 1 : i32
    scf.for %scan3A_16 = %scan3A_11 to %scan3A_13 step %scan3A_14  : i32 {
      %mul3A_17 = arith.constant 16 : i32
      %mul3A_18 = arith.muli %scan3A_16, %mul3A_17 : i32
      %get3A = arith.index_cast %mul3A_18 : i32 to index
      %get3A_19 = tpu.vector_load %arg6[%get3A] {strides = array<i32>} : memref<256xi32, #tpu.memory_space<vmem>>, vector<16xi32>,
      %gather3A = tpu.vector_load_idx %arg5[%get3A_19] : memref<4xf32, #tpu.memory_space<vmem>>[vector<16xi32>], vector<16xf32>,
      %swap3A = arith.index_cast %mul3A_18 : i32 to index
      %swap3A_20 = tpu.vector_load %arg7[%swap3A] {strides = array<i32>} : memref<256xf32, #tpu.memory_space<vmem>>, vector<16xf32>,
      tpu.vector_store %arg7[%swap3A], %gather3A {strides = array<i32>} : memref<256xf32, #tpu.memory_space<vmem>>, vector<16xf32>,
    }
    %scan3A_15 = arith.constant 16 : i32
    %run_scoped3A = arith.constant 0 : i32
    "tpu.region"() ({
      %run_scoped3A_16 = tpu.sem_alloc : memref<!tpu.dma_semaphore, #tpu.memory_space<semaphore_mem>>
      %dma_start3A_17 = tpu.memref_slice %arg4[%run_scoped3A, %mul3A_2] : memref<1x4096xf32, #tpu.memory_space<hbm>> -> memref<1x256xf32, #tpu.memory_space<hbm>>
      %dma_start3A_18 = tpu.memref_squeeze %dma_start3A_17 : memref<1x256xf32, #tpu.memory_space<hbm>> -> memref<256xf32, #tpu.memory_space<hbm>>
      %dma_start3A_19 = tpu.memref_slice %arg4[%run_scoped3A, %mul3A_2] : memref<1x4096xf32, #tpu.memory_space<hbm>> -> memref<1x256xf32, #tpu.memory_space<hbm>>
      %dma_start3A_20 = tpu.memref_squeeze %dma_start3A_19 : memref<1x256xf32, #tpu.memory_space<hbm>> -> memref<256xf32, #tpu.memory_space<hbm>>
      tpu.enqueue_dma source(%arg7 : memref<256xf32, #tpu.memory_space<vmem>>) target(%dma_start3A_20 : memref<256xf32, #tpu.memory_space<hbm>>) target_semaphore(%run_scoped3A_16 : memref<!tpu.dma_semaphore, #tpu.memory_space<semaphore_mem>>)
      %dma_wait3A_21 = tpu.memref_slice %arg4[%run_scoped3A, %mul3A_2] : memref<1x4096xf32, #tpu.memory_space<hbm>> -> memref<1x256xf32, #tpu.memory_space<hbm>>
      %dma_wait3A_22 = tpu.memref_squeeze %dma_wait3A_21 : memref<1x256xf32, #tpu.memory_space<hbm>> -> memref<256xf32, #tpu.memory_space<hbm>>
      %dma_wait3A_23 = tpu.memref_slice %arg4[%run_scoped3A, %mul3A_2] : memref<1x4096xf32, #tpu.memory_space<hbm>> -> memref<1x256xf32, #tpu.memory_space<hbm>>
      %dma_wait3A_24 = tpu.memref_squeeze %dma_wait3A_23 : memref<1x256xf32, #tpu.memory_space<hbm>> -> memref<256xf32, #tpu.memory_space<hbm>>
      tpu.wait_dma2 semaphore(%run_scoped3A_16 : memref<!tpu.dma_semaphore, #tpu.memory_space<semaphore_mem>>) src(%arg7 : memref<256xf32, #tpu.memory_space<vmem>>) dst(%dma_wait3A_24 : memref<256xf32, #tpu.memory_space<hbm>>)
      tpu.yield
    }) : () -> ()
    return
  }
}

module attributes {stable_mosaic.version = 14 : i64} {
  func.func @_tc_tail_body(%arg0: i32, %arg1: memref<1x4096x4096xf32, #tpu.memory_space<any>>, %arg2: memref<1x4096xf32, #tpu.memory_space<vmem>>, %arg3: memref<1x4096xf32, #tpu.memory_space<vmem>>, %arg4: memref<1x1xf32, #tpu.memory_space<smem>>, %arg5: memref<1xf32, #tpu.memory_space<smem>>, %arg6: memref<1x512x4096xf32, #tpu.memory_space<vmem>>) attributes {dimension_semantics = [#tpu.dimension_semantics<arbitrary>], iteration_bounds = array<i64: 7>, scalar_prefetch = 0 : i64, scratch_operands = 0 : i64, tpu.core_type = #tpu.core_type<tc>, window_params = [{}, {pipeline_mode = #tpu.pipeline_mode<synchronous>, transform_indices = @transform_1, window_bounds = array<i64: 1, 4096>}, {pipeline_mode = #tpu.pipeline_mode<synchronous>, transform_indices = @transform_2, window_bounds = array<i64: 1, 4096>}, {transform_indices = @transform_3, window_bounds = array<i64: 1, 1>}, {transform_indices = @transform_4, window_bounds = array<i64: 1>}, {transform_indices = @transform_5, window_bounds = array<i64: 1, 512, 4096>}]} {
    %add3A = arith.constant 1 : i32
    %add3A_0 = arith.addi %arg0, %add3A : i32
    %mul3A = arith.constant 512 : i32
    %mul3A_1 = arith.muli %add3A_0, %mul3A : i32
    %get3A = arith.constant 0 : index
    %get3A_2 = arith.index_cast %mul3A_1 : i32 to index
    %get3A_3 = vector.load %arg3[%get3A, %get3A_2] : memref<1x4096xf32, #tpu.memory_space<vmem>>, vector<1x512xf32>
    %get3A_4 = vector.shape_cast %get3A_3 : vector<1x512xf32> to vector<512xf32>
    %get3A_5 = arith.constant 0 : index
    %get3A_6 = arith.constant 0 : index
    %get3A_7 = memref.load %arg4[%get3A_5, %get3A_6] : memref<1x1xf32, #tpu.memory_space<smem>>
    %mul3A_8 = vector.broadcast %get3A_7 : f32 to vector<512xf32>
    %mul3A_9 = arith.mulf %get3A_4, %mul3A_8 : vector<512xf32>
    %get3A_10 = arith.constant 0 : index
    %get3A_11 = memref.load %arg5[%get3A_10] : memref<1xf32, #tpu.memory_space<smem>>
    %add3A_12 = vector.broadcast %get3A_11 : f32 to vector<512xf32>
    %add3A_13 = arith.addf %mul3A_9, %add3A_12 : vector<512xf32>
    %reshape3A = vector.shape_cast %add3A_13 : vector<512xf32> to vector<512x1xf32>
    %get3A_14 = arith.constant 0 : index
    %get3A_15 = arith.constant 0 : index
    %get3A_16 = vector.load %arg2[%get3A_14, %get3A_15] : memref<1x4096xf32, #tpu.memory_space<vmem>>, vector<1x4096xf32>
    %add3A_17 = vector.broadcast %reshape3A : vector<512x1xf32> to vector<512x4096xf32>
    %add3A_18 = vector.broadcast %get3A_16 : vector<1x4096xf32> to vector<512x4096xf32>
    %add3A_19 = arith.addf %add3A_17, %add3A_18 : vector<512x4096xf32>
    %swap3A = arith.constant 0 : index
    %swap3A_20 = arith.constant 0 : index
    %swap3A_21 = arith.constant 0 : index
    %swap3A_22 = vector.load %arg6[%swap3A, %swap3A_20, %swap3A_21] : memref<1x512x4096xf32, #tpu.memory_space<vmem>>, vector<1x512x4096xf32>
    %swap3A_23 = vector.shape_cast %swap3A_22 : vector<1x512x4096xf32> to vector<512x4096xf32>
    %swap3A_24 = vector.shape_cast %add3A_19 : vector<512x4096xf32> to vector<1x512x4096xf32>
    tpu.vector_store %arg6[%swap3A, %swap3A_20, %swap3A_21], %swap3A_24 {strides = array<i32>} : memref<1x512x4096xf32, #tpu.memory_space<vmem>>, vector<1x512x4096xf32>,
    return
  }
  func.func @transform_1(%arg0: i32) -> (i32, i32) {
    %c0_i32 = arith.constant 0 : i32
    %c0_i32_0 = arith.constant 0 : i32
    %c0_i32_1 = arith.constant 0 : i32
    return %c0_i32, %c0_i32_0 : i32, i32
  }
  func.func @transform_2(%arg0: i32) -> (i32, i32) {
    %c0_i32 = arith.constant 0 : i32
    %c0_i32_0 = arith.constant 0 : i32
    %c0_i32_1 = arith.constant 0 : i32
    return %c0_i32, %c0_i32_0 : i32, i32
  }
  func.func @transform_3(%arg0: i32) -> (i32, i32) {
    %c0_i32 = arith.constant 0 : i32
    %c0_i32_0 = arith.constant 0 : i32
    %c0_i32_1 = arith.constant 0 : i32
    return %c0_i32, %c0_i32_0 : i32, i32
  }
  func.func @transform_4(%arg0: i32) -> i32 {
    %c0_i32 = arith.constant 0 : i32
    %c0_i32_0 = arith.constant 0 : i32
    return %c0_i32 : i32
  }
  func.func @transform_5(%arg0: i32) -> (i32, i32, i32) {
    %add3A = arith.constant 1 : i32
    %add3A_0 = arith.addi %arg0, %add3A : i32
    %c0_i32 = arith.constant 0 : i32
    %c0_i32_1 = arith.constant 0 : i32
    %c0_i32_2 = arith.constant 0 : i32
    return %c0_i32, %add3A_0, %c0_i32_1 : i32, i32, i32
  }
}

module attributes {stable_mosaic.version = 14 : i64} {
  func.func @_tc_head_body(%arg0: i32, %arg1: memref<1x4096xi32, #tpu.memory_space<vmem>>, %arg2: memref<1x4096xf32, #tpu.memory_space<vmem>>, %arg3: memref<4x1xf32, #tpu.memory_space<smem>>, %arg4: memref<1x1xf32, #tpu.memory_space<smem>>, %arg5: memref<1xf32, #tpu.memory_space<smem>>, %arg6: memref<1x512x4096xf32, #tpu.memory_space<vmem>>) attributes {dimension_semantics = [#tpu.dimension_semantics<arbitrary>], iteration_bounds = array<i64: 1>, scalar_prefetch = 0 : i64, scratch_operands = 0 : i64, tpu.core_type = #tpu.core_type<tc>, window_params = [{pipeline_mode = #tpu.pipeline_mode<synchronous>, transform_indices = @transform_0, window_bounds = array<i64: 1, 4096>}, {pipeline_mode = #tpu.pipeline_mode<synchronous>, transform_indices = @transform_1, window_bounds = array<i64: 1, 4096>}, {transform_indices = @transform_2, window_bounds = array<i64: 4, 1>}, {transform_indices = @transform_3, window_bounds = array<i64: 1, 1>}, {transform_indices = @transform_4, window_bounds = array<i64: 1>}, {transform_indices = @transform_5, window_bounds = array<i64: 1, 512, 4096>}]} {
    %get3A = arith.constant 0 : index
    %get3A_0 = arith.constant 0 : index
    %get3A_1 = vector.load %arg1[%get3A, %get3A_0] : memref<1x4096xi32, #tpu.memory_space<vmem>>, vector<1x4096xi32>
    %eq3A = arith.constant 1 : i32
    %eq3A_2 = vector.broadcast %eq3A : i32 to vector<1x4096xi32>
    %eq3A_3 = arith.cmpi eq, %get3A_1, %eq3A_2 : vector<1x4096xi32>
    %get3A_4 = arith.constant 1 : index
    %get3A_5 = arith.constant 0 : index
    %get3A_6 = memref.load %arg3[%get3A_4, %get3A_5] : memref<4x1xf32, #tpu.memory_space<smem>>
    %get3A_7 = arith.constant 0 : index
    %get3A_8 = arith.constant 0 : index
    %get3A_9 = memref.load %arg3[%get3A_7, %get3A_8] : memref<4x1xf32, #tpu.memory_space<smem>>
    %broadcast_in_dim3A = vector.broadcast %get3A_6 : f32 to vector<1x4096xf32>
    %broadcast_in_dim3A_10 = vector.broadcast %get3A_9 : f32 to vector<1x4096xf32>
    %select_n3A = arith.select %eq3A_3, %broadcast_in_dim3A, %broadcast_in_dim3A_10 : vector<1x4096xi1>, vector<1x4096xf32>
    %eq3A_11 = arith.constant 2 : i32
    %eq3A_12 = vector.broadcast %eq3A_11 : i32 to vector<1x4096xi32>
    %eq3A_13 = arith.cmpi eq, %get3A_1, %eq3A_12 : vector<1x4096xi32>
    %get3A_14 = arith.constant 2 : index
    %get3A_15 = arith.constant 0 : index
    %get3A_16 = memref.load %arg3[%get3A_14, %get3A_15] : memref<4x1xf32, #tpu.memory_space<smem>>
    %broadcast_in_dim3A_17 = vector.broadcast %get3A_16 : f32 to vector<1x4096xf32>
    %select_n3A_18 = arith.select %eq3A_13, %broadcast_in_dim3A_17, %select_n3A : vector<1x4096xi1>, vector<1x4096xf32>
    %eq3A_19 = arith.constant 3 : i32
    %eq3A_20 = vector.broadcast %eq3A_19 : i32 to vector<1x4096xi32>
    %eq3A_21 = arith.cmpi eq, %get3A_1, %eq3A_20 : vector<1x4096xi32>
    %get3A_22 = arith.constant 3 : index
    %get3A_23 = arith.constant 0 : index
    %get3A_24 = memref.load %arg3[%get3A_22, %get3A_23] : memref<4x1xf32, #tpu.memory_space<smem>>
    %broadcast_in_dim3A_25 = vector.broadcast %get3A_24 : f32 to vector<1x4096xf32>
    %select_n3A_26 = arith.select %eq3A_21, %broadcast_in_dim3A_25, %select_n3A_18 : vector<1x4096xi1>, vector<1x4096xf32>
    %mul3A = arith.constant 512 : i32
    %mul3A_27 = arith.muli %arg0, %mul3A : i32
    %get3A_28 = arith.constant 0 : index
    %get3A_29 = arith.index_cast %mul3A_27 : i32 to index
    %get3A_30 = vector.load %arg2[%get3A_28, %get3A_29] : memref<1x4096xf32, #tpu.memory_space<vmem>>, vector<1x512xf32>
    %get3A_31 = vector.shape_cast %get3A_30 : vector<1x512xf32> to vector<512xf32>
    %get3A_32 = arith.constant 0 : index
    %get3A_33 = arith.constant 0 : index
    %get3A_34 = memref.load %arg4[%get3A_32, %get3A_33] : memref<1x1xf32, #tpu.memory_space<smem>>
    %mul3A_35 = vector.broadcast %get3A_34 : f32 to vector<512xf32>
    %mul3A_36 = arith.mulf %get3A_31, %mul3A_35 : vector<512xf32>
    %get3A_37 = arith.constant 0 : index
    %get3A_38 = memref.load %arg5[%get3A_37] : memref<1xf32, #tpu.memory_space<smem>>
    %add3A = vector.broadcast %get3A_38 : f32 to vector<512xf32>
    %add3A_39 = arith.addf %mul3A_36, %add3A : vector<512xf32>
    %reshape3A = vector.shape_cast %add3A_39 : vector<512xf32> to vector<512x1xf32>
    %add3A_40 = vector.broadcast %reshape3A : vector<512x1xf32> to vector<512x4096xf32>
    %add3A_41 = vector.broadcast %select_n3A_26 : vector<1x4096xf32> to vector<512x4096xf32>
    %add3A_42 = arith.addf %add3A_40, %add3A_41 : vector<512x4096xf32>
    %swap3A = arith.constant 0 : index
    %swap3A_43 = arith.constant 0 : index
    %swap3A_44 = arith.constant 0 : index
    %swap3A_45 = vector.load %arg6[%swap3A, %swap3A_43, %swap3A_44] : memref<1x512x4096xf32, #tpu.memory_space<vmem>>, vector<1x512x4096xf32>
    %swap3A_46 = vector.shape_cast %swap3A_45 : vector<1x512x4096xf32> to vector<512x4096xf32>
    %swap3A_47 = vector.shape_cast %add3A_42 : vector<512x4096xf32> to vector<1x512x4096xf32>
    tpu.vector_store %arg6[%swap3A, %swap3A_43, %swap3A_44], %swap3A_47 {strides = array<i32>} : memref<1x512x4096xf32, #tpu.memory_space<vmem>>, vector<1x512x4096xf32>,
    return
  }
  func.func @transform_0(%arg0: i32) -> (i32, i32) {
    %c0_i32 = arith.constant 0 : i32
    %c0_i32_0 = arith.constant 0 : i32
    %c0_i32_1 = arith.constant 0 : i32
    return %c0_i32, %c0_i32_0 : i32, i32
  }
  func.func @transform_1(%arg0: i32) -> (i32, i32) {
    %c0_i32 = arith.constant 0 : i32
    %c0_i32_0 = arith.constant 0 : i32
    %c0_i32_1 = arith.constant 0 : i32
    return %c0_i32, %c0_i32_0 : i32, i32
  }
  func.func @transform_2(%arg0: i32) -> (i32, i32) {
    %c0_i32 = arith.constant 0 : i32
    %c0_i32_0 = arith.constant 0 : i32
    %c0_i32_1 = arith.constant 0 : i32
    return %c0_i32, %c0_i32_0 : i32, i32
  }
  func.func @transform_3(%arg0: i32) -> (i32, i32) {
    %c0_i32 = arith.constant 0 : i32
    %c0_i32_0 = arith.constant 0 : i32
    %c0_i32_1 = arith.constant 0 : i32
    return %c0_i32, %c0_i32_0 : i32, i32
  }
  func.func @transform_4(%arg0: i32) -> i32 {
    %c0_i32 = arith.constant 0 : i32
    %c0_i32_0 = arith.constant 0 : i32
    return %c0_i32 : i32
  }
  func.func @transform_5(%arg0: i32) -> (i32, i32, i32) {
    %c0_i32 = arith.constant 0 : i32
    %c0_i32_0 = arith.constant 0 : i32
    %c0_i32_1 = arith.constant 0 : i32
    return %c0_i32, %arg0, %c0_i32_0 : i32, i32, i32
  }
}

</mosaic_0001>

<sc_bundles>
// kernel: kernel.5.cloned.1.call-start
scs
__scs_entry_jumppad:
0x0: {  	(pc) =	sbr.rel $0x88, $3  }
0x1: {  	(tag) =	ssettag $0x0;
	lr =	simm.s32 $0x1  }
0x2: {  	[smem:$0x3F9C] =	sst lr;
	_ =	strace $0xD0000000  }
0x3: {  	_ = 	snop  }
0x4: {  	_ = 	snop  }
0x5: {  	_ = 	snop  }
0x6: {  	_ = 	snop  }
0x7: {  	_ = 	snop  }
__scs_overlays_trampoline_lowered:
0x8: {  	[smem:$0x3FAB] =	sst s0  }
0x9: {  	[smem:$0x3FAC] =	sst s1  }
0xa: {  	[smem:$0x3FAD] =	sst s2  }
0xb: {  	[smem:$0x3FAE] =	sst s3  }
0xc: {  	[smem:$0x3FAF] =	sst s4  }
0xd: {  	[smem:$0x3FB0] =	sst s5  }
0xe: {  	[smem:$0x3FB1] =	sst s6  }
0xf: {  	[smem:$0x3FB2] =	sst s7  }
0x10: {  	[smem:$0x3FB3] =	sst s8  }
0x11: {  	[smem:$0x3FB4] =	sst s9;
	s0 =	simm.s32 @!p0 $0x0  }
0x12: {  	s1 =	sld [smem:$0x3F9A];
	s0 =	simm.s32 @p0 $0x1  }
0x13: {  	[smem:$0x3FB5] =	sst s0;
	s0 =	simm.s32 @!p1 $0x0  }
0x14: {  	s2 =	sld [smem:$0x3F99];
	s0 =	simm.s32 @p1 $0x1  }
0x15: {  	[smem:$0x3FB6] =	sst s0;
	s0 =	simm.s32 @!p2 $0x0  }
0x16: {  	s3 =	sld [smem:$0x3FDB];
	s0 =	simm.s32 @p2 $0x1  }
0x17: {  	s4 =	simm.s32 $0x1BF5;
	[smem:$0x3FB8] =	sst s0  }
0x18: {  	s0 =	sld [smem:$0x3F9B];
	_ =	swait.ge [sflag:s4], $0x0  }
0x19: {  	s7 =	sld [smem:$0x3F9C]  }
0x1a: {  	s8 =	sadd.s32 $0xFFFFE003, lr  }
0x1b: {  	s9 =	sadd.s32 $0xFFFFFEF7, lr;
	s5 =	simm.s32 $0xFFFFFFFF;
	p2 =	slt.u32 s8, $0xFFFFF086  }
0x1c: {  	p1 =	slt.u32 s9, $0xF7A;
	s5 =	simm.s32 @!p2 $0x0  }
0x1d: {  	s5 =	simm.s32 @p1 $0x1;
	p0 =	seq.s32 s7, s2  }
0x1e: {  	s7 =	smul.u32 @!p0 $0xF7A, s2;
	p2 =	seq.s32 @!p0 s5, $0x0  }
0x1f: {  	s9 =	smul.u32 $0xF7A, s1;
	s8 =	simm.s32 @!p0 $0x1BF5;
	p2 =	por !p2, p0  }
0x20: {  	[sflag:s8] =	ssyncset.s32 @!p0 $0xFFFFF086;
	s6 =	sadd.s32 @!p0 s3, s7;
	s7 =	simm.s32 @!p0 $0x108  }
0x21: {  	s3 =	sadd.s32 s3, s9;
	s6 =	sadd.s32 @!p0 $0x88, s6;
	s7 =	simm.s32 @p2 $0x1082  }
0x22: {  	[simem:s7], [sflag:s8] =	dma.local @!p0 [hbm:s6], $0xF7A  }
0x23: {  	s9 =	sor.u32 $0xD0000000, s2;
	s6 =	simm.s32 $0x108;
	_ =	swait.ge @!p0 [sflag:s8], $0x0  }
0x24: {  	s3 =	sadd.s32 $0x88, s3;
	s6 =	simm.s32 @!p1 $0x1082;
	[sflag:s4] =	ssyncset.s32 $0xFFFFF086  }
0x25: {  	[simem:s6], [sflag:s4] =	dma.local [hbm:s3], $0xF7A  }
0x26: {  	[smem:$0x3F9C] =	sst s1;
	(tag) =	ssettag s2;
	_ =	strace s9  }
0x27: {  	s1 =	sld [smem:$0x3FAC]  }
0x28: {  	s2 =	sld [smem:$0x3FAD]  }
0x29: {  	s4 =	sld [smem:$0x3FAF]  }
0x2a: {  	p0 =	seq.s32 s5, $0x0;
	s5 =	sld [smem:$0x3FB0]  }
0x2b: {  	s6 =	sld [smem:$0x3FB1]  }
0x2c: {  	s7 =	sld [smem:$0x3FB2]  }
0x2d: {  	s3 =	simm.s32 $0x108;
	s8 =	sld [smem:$0x3FB3]  }
0x2e: {  	s3 =	simm.s32 @!p0 $0x1082;
	s9 =	sld [smem:$0x3FB4]  }
0x2f: {  	lr =	sadd.s32 s0, s3;
	s0 =	sld [smem:$0x3FAB]  }
0x30: {  	s3 =	sld [smem:$0x3FAE]  }
0x31: {  	[smem:$0x3FB7] =	sst s10  }
0x32: {  	s10 =	sld [smem:$0x3FB5];
	_ =	sdelay $0x3  }
0x33: {  	p0 =	seq.s32 s10, $0x1;
	s10 =	sld [smem:$0x3FB7];
	_ =	sdelay $0x3  }
0x34: {  	[smem:$0x3FB7] =	sst s10  }
0x35: {  	s10 =	sld [smem:$0x3FB6];
	_ =	sdelay $0x3  }
0x36: {  	p1 =	seq.s32 s10, $0x1;
	s10 =	sld [smem:$0x3FB7];
	_ =	sdelay $0x3  }
0x37: {  	[smem:$0x3FB7] =	sst s10  }
0x38: {  	s10 =	sld [smem:$0x3FB8]  }
0x39: {  	_ = 	snop;
	(pc) =	sbr.ind lr, $3  }
0x3a: {  	_ = 	snop  }
0x3b: {  	_ = 	snop  }
0x3c: {  	p2 =	seq.s32 s10, $0x1;
	s10 =	sld [smem:$0x3FB7]  }
0x3d: {  	_ =	shalt  }
0x3e: {  	_ =	shalt  }
0x3f: {  	_ =	shalt  }
0x40: {  	_ =	shalt  }
0x41: {  	_ =	shalt  }
0x42: {  	_ =	shalt  }
0x43: {  	_ =	shalt  }
0x44: {  	_ =	shalt  }
0x45: {  	_ =	shalt  }
0x46: {  	_ =	shalt  }
0x47: {  	_ =	shalt  }
0x48: {  	_ =	shalt  }
0x49: {  	_ =	shalt  }
0x4a: {  	_ =	shalt  }
0x4b: {  	_ =	shalt  }
0x4c: {  	_ =	shalt  }
0x4d: {  	_ =	shalt  }
0x4e: {  	_ =	shalt  }
0x4f: {  	_ =	shalt  }
0x50: {  	_ =	shalt  }
0x51: {  	_ =	shalt  }
0x52: {  	_ =	shalt  }
0x53: {  	_ =	shalt  }
0x54: {  	_ =	shalt  }
0x55: {  	_ =	shalt  }
0x56: {  	_ =	shalt  }
0x57: {  	_ =	shalt  }
0x58: {  	_ =	shalt  }
0x59: {  	_ =	shalt  }
0x5a: {  	_ =	shalt  }
0x5b: {  	_ =	shalt  }
0x5c: {  	_ =	shalt  }
0x5d: {  	_ =	shalt  }
0x5e: {  	_ =	shalt  }
0x5f: {  	_ =	shalt  }
0x60: {  	_ =	shalt  }
0x61: {  	_ =	shalt  }
0x62: {  	_ =	shalt  }
0x63: {  	_ =	shalt  }
0x64: {  	_ =	shalt  }
0x65: {  	_ =	shalt  }
0x66: {  	_ =	shalt  }
0x67: {  	_ =	shalt  }
0x68: {  	_ =	shalt  }
0x69: {  	_ =	shalt  }
0x6a: {  	_ =	shalt  }
0x6b: {  	_ =	shalt  }
0x6c: {  	_ =	shalt  }
0x6d: {  	_ =	shalt  }
0x6e: {  	_ =	shalt  }
0x6f: {  	_ =	shalt  }
0x70: {  	_ =	shalt  }
0x71: {  	_ =	shalt  }
0x72: {  	_ =	shalt  }
0x73: {  	_ =	shalt  }
0x74: {  	_ =	shalt  }
0x75: {  	_ =	shalt  }
0x76: {  	_ =	shalt  }
0x77: {  	_ =	shalt  }
0x78: {  	_ =	shalt  }
0x79: {  	_ =	shalt  }
0x7a: {  	_ =	shalt  }
0x7b: {  	_ =	shalt  }
0x7c: {  	_ =	shalt  }
0x7d: {  	_ =	shalt  }
0x7e: {  	_ =	shalt  }
0x7f: {  	_ =	shalt  }
0x80: {  	_ =	shalt  }
0x81: {  	_ =	shalt  }
0x82: {  	_ =	shalt  }
0x83: {  	_ =	shalt  }
0x84: {  	_ =	shalt  }
0x85: {  	_ =	shalt  }
0x86: {  	_ =	shalt  }
0x87: {  	_ =	shalt  }
.Lfunc_end0:
.L_simem_size_0:
called_computation_lowered:
.L_overlay_start_0:
0x88: {  	s0 =	sld [smem:$0x3FD9]  }
0x89: {  	s1 =	sld [smem:$0x3FFE];
	_ =	sdelay $0x3  }
0x8a: {  	s0 =	sadd.s32 s1, s0  }
0x8b: {  	[smem:$0x3FC3] =	sst s0  }
0x8c: {  	_ = 	snop  }
0x8d: {  	s0 =	sld [smem:$0x3FC9]  }
0x8e: {  	s16 =	sld [smem:$0x3FC7];
	(tm) =	ssettm $0x1  }
0x8f: {  	s2 =	sld [smem:$0x3FFB];
	_ =	sdelay $0x3  }
0x90: {  	_ =	strace s2  }
0x91: {  	s2 =	sld [smem:$0x3FFC];
	_ =	sdelay $0x3  }
0x92: {  	_ =	strace s2  }
0x93: {  	s2 =	sld [smem:$0x3FFD];
	_ =	sdelay $0x3  }
0x94: {  	_ =	strace s2  }
0x95: {  	_ =	strace $0x8FFFFFFF  }
0x96: {  	s17 =	sld [smem:$0x3FDB];
	_ =	sdelay $0x1  }
0x97: {  	s3 =	simm.s32 $_scs_section_size  }
0x98: {  	s4 =	simm.s32 $_size__tile_overlayer_lowered;
	s5 =	simm.s32 $_tile_overlayer_lowered  }
0x99: {  	s20 =	simm.s32 $0x1BFF;
	s19 =	sshll.u32 s5, $0x1;
	s2 =	sadd.s32 s3, s17  }
0x9a: {  	s6 =	simm.s32 $0x0;
	s18 =	sshll.u32 s4, $0x1;
	s4 =	sadd.s32 s19, s2  }
0x9b: {  	[timem:s6], [sflag:s20] =	dma.local [hbm:s4], s18  }
0x9c: {  	_ =	swait.ge [sflag:s20], s18  }
0x9d: {  	s3 =	ssub.s32 $0x0, s18;
	[sflag:s20] =	ssyncset.done $0x0  }
0x9e: {  	[sflag:s20] =	ssyncadd.s32 s3;
	_ =	sdelay $0x1  }
0x9f: {  	s21 =	simm.s32 $0x1B8B  }
0xa0: {  	_ =	swait.ge [sflag:s21], $0x1  }
0xa1: {  	[sflag:s21] =	ssyncset.done $0x0  }
0xa2: {  	s23 =	simm.s32 $0x1B8E;
	s22 =	sld [smem:$0x3FFE];
	[sflag:s21] =	ssyncadd.s32 $0xFFFFFFFF  }
0xa3: {  	s24 =	simm.s32 $execute0_lowered;
	[smem:$0x3FD2] =	sst s23  }
0xa4: {  	s4 =	sshll.u32 s24, $0x1;
	_ =	strace $0x80000046;
	[dreg:$0x1] =	wrdreg $0xFFFFFFFF  }
0xa5: {  	s25 =	simm.s32 $_size_execute0_lowered;
	s2 =	sadd.s32 s2, s4;
	[dreg:$0x0] =	wrdreg $0x0  }
0xa6: {  	s4 =	sshll.u32 s25, $0x1;
	[dreg:$0x2] =	wrdreg s2  }
0xa7: {  	[dreg:$0x3] =	wrdreg s4  }
0xa8: {  	[dreg:$0x4] =	wrdreg $0xC0  }
0xa9: {  	_ =	task [dreg:s6], $0x5FFFF  }
0xaa: {  	[dreg:$0x1] =	wrdreg $0xFFFFFFFF  }
0xab: {  	[dreg:$0x0] =	wrdreg $0x60  }
0xac: {  	[dreg:$0x2] =	wrdreg s16  }
0xad: {  	[dreg:$0x3] =	wrdreg s0  }
0xae: {  	[dreg:$0x4] =	wrdreg s22  }
0xaf: {  	[dreg:$0x5] =	wrdreg $0x9  }
0xb0: {  	_ =	task.clear_ibuf [dreg:s6], $0x6FFFF;
	_ =	strace $0x90000046  }
0xb1: {  	s26 =	simm.s32 $0x9;
	_ =	strace $0x80000048  }
0xb2: {  	_ =	swait.ge [sflag:s26], $0x1  }
0xb3: {  	[sflag:s26] =	ssyncadd.s32 $0xFFFFFFFF  }
0xb4: {  	_ =	strace $0x90000048  }
0xb5: {  	_ =	sfence  }
0xb6: {  	s28 =	sld [smem:$0x0];
	_ =	sdelay $0x1  }
0xb7: {  	s29 =	srdreg.scid  }
0xb8: {  	s30 =	sshll.u32 s29, $0xD;
	s31 =	sshrl.u32 s29, $0x2  }
0xb9: {  	s1 =	sand.u32 $0x1, s29;
	s2 =	sand.u32 $0x4000, s30;
	s0 =	sadd.s32 s31, s28  }
0xba: {  	s1 =	sor.u32 s2, s1;
	s0 =	sshll.u32 s0, $0x11  }
0xbb: {  	s0 =	sor.u32 s0, s1  }
0xbc: {  	s0 =	sadd.s32 $0x8F2B, s0  }
0xbd: {  	[sflag:s0] =	ssyncadd.remote.s32 $0x1  }
0xbe: {  	_ =	sfence.sel $0xFFFF  }
0xbf: {  	[dreg:$0x0] =	wrdreg $0xFFFFFFFF;
	(pc) =	sbr.abs _section_cstart, $3  }
0xc0: {  	[dreg:$0x1] =	wrdreg $0xFFFFFFFF  }
0xc1: {  	_ =	task.clear_ibuf [dreg:s6], $0x2FFFF;
	_ =	strace $0x9FFFFFFF  }
0xc2: {  	(tm) =	ssettm $0x7FFFFFFF  }
0xc3: {  	_ =	shalt  }
tec
execute0_lowered:
.L_overlay_start_1:
0x0: {  	(tag) =	ssettag $0x1  }
0x1: {  	s4 =	rddreg [dreg:$0x0]  }
0x2: {  	s5 =	rddreg [dreg:$0x1]  }
0x3: {  	s3 =	rddreg [dreg:$0x2];
	s2 =	simm.s32 $0x0  }
0x4: {  	s1 =	stileid.u32;
	[smem:$0x7FF] =	sst s2  }
0x5: {  	s0 =	rddreg [dreg:$0x3];
	s6 =	sshll.u32 s1, $0x5;
	_ =	strace $0x80000047  }
0x6: {  	[tilespmem:s2], [sflag:$0x1] =	stream.linear.gather [hbm4b:s4+s2], $0x80, $0x38;
	[tilespmem:$0x280] =	vst v63  }
0x7: {  	s26 =	simm.s32 $0x80;
	s28 =	simm.s32 $0x1;
	s25 =	sadd.s32 s5, s6  }
0x8: {  	[tilespmem:s26], [sflag:$0x2] =	stream.linear.gather [hbm4b:s25+s2], $0x100, $0x38;
	[tilespmem:$0x280] =	vst v63  }
0x9: {  	_ =	swait.ge [sflag:s28], $0x80  }
0xa: {  	[sflag:s28] =	ssyncset.done $0x0  }
0xb: {  	s29 =	simm.s32 $0x2;
	[sflag:s28] =	ssyncadd.s32 $0xFFFFFF80  }
0xc: {  	_ =	swait.ge [sflag:s29], $0x100  }
0xd: {  	[sflag:s29] =	ssyncset.done $0x0  }
0xe: {  	[sflag:s29] =	ssyncadd.s32 $0xFFFFFF00  }
0xf: {  	v0 =	vld [tilespmem:$0x80];
	_ =	sdelay $0x5  }
0x10: {  	v1 =	vld [tilespmem:$0x90];
	_ =	sdelay $0x1  }
0x11: {  	v0 =	vld.idx.msk [tilespmem:v0+s2+$0x0], $0xffff;
	_ =	sdelay $0x3  }
0x12: {  	v2 =	vld [tilespmem:$0xA0]  }
0x13: {  	[tilespmem:$0x180] =	vst v0  }
0x14: {  	v0 =	vld.idx.msk [tilespmem:v1+s2+$0x0], $0xffff;
	_ =	sdelay $0x3  }
0x15: {  	v51 =	vld [tilespmem:$0xB0]  }
0x16: {  	[tilespmem:$0x190] =	vst v0  }
0x17: {  	v0 =	vld.idx.msk [tilespmem:v2+s2+$0x0], $0xffff;
	_ =	sdelay $0x3  }
0x18: {  	v52 =	vld [tilespmem:$0xC0]  }
0x19: {  	[tilespmem:$0x1A0] =	vst v0  }
0x1a: {  	v0 =	vld.idx.msk [tilespmem:v51+s2+$0x0], $0xffff;
	_ =	sdelay $0x3  }
0x1b: {  	v53 =	vld [tilespmem:$0xD0]  }
0x1c: {  	[tilespmem:$0x1B0] =	vst v0  }
0x1d: {  	v0 =	vld.idx.msk [tilespmem:v52+s2+$0x0], $0xffff;
	_ =	sdelay $0x3  }
0x1e: {  	v54 =	vld [tilespmem:$0xE0]  }
0x1f: {  	[tilespmem:$0x1C0] =	vst v0  }
0x20: {  	v0 =	vld.idx.msk [tilespmem:v53+s2+$0x0], $0xffff;
	_ =	sdelay $0x3  }
0x21: {  	v55 =	vld [tilespmem:$0xF0]  }
0x22: {  	[tilespmem:$0x1D0] =	vst v0  }
0x23: {  	v0 =	vld.idx.msk [tilespmem:v54+s2+$0x0], $0xffff;
	_ =	sdelay $0x3  }
0x24: {  	v56 =	vld [tilespmem:$0x100]  }
0x25: {  	[tilespmem:$0x1E0] =	vst v0  }
0x26: {  	v0 =	vld.idx.msk [tilespmem:v55+s2+$0x0], $0xffff;
	_ =	sdelay $0x3  }
0x27: {  	v57 =	vld [tilespmem:$0x110]  }
0x28: {  	[tilespmem:$0x1F0] =	vst v0  }
0x29: {  	v0 =	vld.idx.msk [tilespmem:v56+s2+$0x0], $0xffff;
	_ =	sdelay $0x3  }
0x2a: {  	v58 =	vld [tilespmem:$0x120]  }
0x2b: {  	[tilespmem:$0x200] =	vst v0  }
0x2c: {  	v0 =	vld.idx.msk [tilespmem:v57+s2+$0x0], $0xffff;
	_ =	sdelay $0x3  }
0x2d: {  	v59 =	vld [tilespmem:$0x130]  }
0x2e: {  	[tilespmem:$0x210] =	vst v0  }
0x2f: {  	v0 =	vld.idx.msk [tilespmem:v58+s2+$0x0], $0xffff;
	_ =	sdelay $0x3  }
0x30: {  	v60 =	vld [tilespmem:$0x140]  }
0x31: {  	[tilespmem:$0x220] =	vst v0  }
0x32: {  	v0 =	vld.idx.msk [tilespmem:v59+s2+$0x0], $0xffff;
	_ =	sdelay $0x3  }
0x33: {  	v61 =	vld [tilespmem:$0x150]  }
0x34: {  	[tilespmem:$0x230] =	vst v0  }
0x35: {  	v0 =	vld.idx.msk [tilespmem:v60+s2+$0x0], $0xffff;
	_ =	sdelay $0x3  }
0x36: {  	v62 =	vld [tilespmem:$0x160]  }
0x37: {  	[tilespmem:$0x240] =	vst v0  }
0x38: {  	v0 =	vld.idx.msk [tilespmem:v61+s2+$0x0], $0xffff;
	_ =	sdelay $0x3  }
0x39: {  	v63 =	vld [tilespmem:$0x170]  }
0x3a: {  	[tilespmem:$0x250] =	vst v0  }
0x3b: {  	v0 =	vld.idx.msk [tilespmem:v62+s2+$0x0], $0xffff;
	_ =	sdelay $0x4  }
0x3c: {  	[tilespmem:$0x260] =	vst v0  }
0x3d: {  	v0 =	vld.idx.msk [tilespmem:v63+s2+$0x0], $0xffff;
	_ =	sdelay $0x3  }
0x3e: {  	s3 =	sadd.s32 s6, s3  }
0x3f: {  	s30 =	simm.s32 $0x180;
	s31 =	simm.s32 $0x3;
	s3 =	sadd.s32 $0xA00, s3;
	[tilespmem:$0x270] =	vst v0  }
0x40: {  	[hbm4b:s3+s2] =	stream.linear.scatter [tilespmem:s30], [sflag:$0x3], $0x100, $0x38;
	[tilespmem:$0x280] =	vst v63  }
0x41: {  	_ =	swait.ge [sflag:s31], $0x100  }
0x42: {  	[sflag:s31] =	ssyncset.done $0x0  }
0x43: {  	[sflag:s31] =	ssyncadd.s32 $0xFFFFFF00  }
0x44: {  	_ =	sfence.sel $0x180000  }
0x45: {  	[bflag:$0x0] =	sbarrier.arrive $0xFFFF  }
0x46: {  	p0 =	sne.s32 s1, $0x0;
	_ =	strace $0x90000047  }
0x47: {  	s0 =	sadd.s32 @!p0 $0x100000, s0;
	[bflag:$0x2] =	sbarrier.arrive $0xFFFF  }
0x48: {  	[sflag:s0] =	ssyncadd.tile.s32 @!p0 $0x1;
	_ =	shalt  }
.Lfunc_end2:
_tile_overlayer_lowered:
.L_overlay_start_2:
0x49: {  	(tag) =	ssettag $0x2  }
0x4a: {  	s0 =	rddreg [dreg:$0x0];
	s2 =	stileid.u32  }
0x4b: {  	s1 =	rddreg [dreg:$0x1];
	p0 =	sne.s32 s2, $0x0  }
0x4c: {  	s3 =	rddreg [dreg:$0x2];
	[bflag:$0x3] =	sbarrier.arrive $0xFFFF;
	s2 =	simm.s32 @!p0 $0x1C03  }
0x4d: {  	[timem:s3], [sflag:s2] =	dma.local @!p0 [hbm:s0], s1  }
0x4e: {  	s0 =	simm.s32 @!p0 $0x3  }
0x4f: {  	_ =	swait.ge @!p0 [sflag:s0], s1  }
0x50: {  	s1 =	ssub.s32 @!p0 $0x0, s1;
	[sflag:s0] =	ssyncset.done @!p0 $0x0  }
0x51: {  	[sflag:s0] =	ssyncadd.s32 @!p0 s1  }
0x52: {  	[bflag:$0x3] =	sbarrier.arrive $0xFFFF  }
0x53: {  	_ =	shalt  }

</sc_bundles>
